<compile_context>
chip_gen: v7x
topology: tpu7x:2x2x1
jax: 0.10.2.dev20260603
libtpu: 0.0.44.dev20260713+nightly
codegen_flags: <defaults>
</compile_context>

<pallas_src>
import functools

import jax
import jax.numpy as jnp
from jax import lax
from jax.experimental import pallas as pl
from jax.experimental.pallas import tpu as pltpu
from jax.experimental.pallas import tpu_sc as plsc

_NORM = 0.1481847 / 14.3996

_NC = 2
_NS = 16
_NW = _NC * _NS
_L = 16

_TBL_PAD = 128
_NB = 2


def _make_lookup(n, tbl_n):
    assert n % (_NB * _NW * _L) == 0
    per_w = n // _NW
    mesh = plsc.VectorSubcoreMesh(
        core_axis_name="c", subcore_axis_name="s",
        num_cores=_NC, num_subcores=_NS,
    )

    @functools.partial(
        pl.kernel,
        out_type=jax.ShapeDtypeStruct((n,), jnp.float32),
        mesh=mesh,
        scratch_types=[
            pltpu.VMEM((_TBL_PAD,), jnp.float32),
            [pltpu.VMEM((per_w // _NB,), jnp.int32) for _ in range(2)],
            [pltpu.VMEM((per_w // _NB,), jnp.float32) for _ in range(2)],
            [pltpu.SemaphoreType.DMA for _ in range(2)],
            [pltpu.SemaphoreType.DMA for _ in range(2)],
        ],
        compiler_params=pltpu.CompilerParams(
            needs_layout_passes=False,
            disable_bounds_checks=True,
            disable_semaphore_checks=True,
            skip_device_barrier=True,
        ),
    )
    def lookup(an_hbm, tbl_hbm, out_hbm, tbl_v, idx_v, val_v, in_sem, out_sem):
        wid = lax.axis_index("s") * _NC + lax.axis_index("c")
        base = wid * per_w
        chunk = per_w // _NB

        in_cp = [None] * _NB
        out_cp = [None] * _NB
        in_cp[0] = pltpu.async_copy(
            an_hbm.at[pl.ds(base, chunk)], idx_v[0], in_sem[0]
        )

        pltpu.sync_copy(tbl_hbm, tbl_v.at[pl.ds(0, tbl_n)])
        for j in range(_TBL_PAD // _L):
            sl = pl.ds(j * _L, _L)
            tbl_v[sl] = tbl_v[sl] * _NORM

        for k in range(_NB):
            b = k % 2
            if k + 1 < _NB:
                nb = (k + 1) % 2
                in_cp[k + 1] = pltpu.async_copy(
                    an_hbm.at[pl.ds(base + (k + 1) * chunk, chunk)],
                    idx_v[nb], in_sem[nb],
                )
            in_cp[k].wait()
            if k >= 2:
                out_cp[k - 2].wait()

            @plsc.parallel_loop(0, chunk, step=_L, unroll=32)
            def _(i, ib=idx_v[b], vb=val_v[b]):
                sl = pl.ds(i, _L)
                vb[sl] = plsc.load_gather(tbl_v, [ib[sl]])

            out_cp[k] = pltpu.async_copy(
                val_v[b], out_hbm.at[pl.ds(base + k * chunk, chunk)],
                out_sem[b],
            )

        out_cp[_NB - 2].wait()
        out_cp[_NB - 1].wait()

    return lookup


def kernel(atomic_numbers, alpha_table):
    return _make_lookup(atomic_numbers.shape[0], alpha_table.shape[0])(
        atomic_numbers, alpha_table
    )

# --- scband reference (transcript-rebuilt; emitter-appended) ---
"""Pipeline reference for scband-atomic-alpha-12077448036673 (READ-ONLY COPY).

The authoritative reference and input builder live on the scoring server;
editing this copy changes nothing except your own understanding.
"""

import jax, jax.numpy as jnp
import numpy as np

_ALPHA_DICT = {1: 4.5, 2: 1.38, 3: 164.11, 4: 37.74, 5: 20.5, 6: 11.3, 7: 7.4, 8: 5.3, 9: 3.74, 10: 2.67, 11: 162.7, 12: 71.3, 13: 60.0, 14: 37.3, 15: 25.0, 16: 19.4, 17: 14.6, 18: 11.1, 19: 290.0, 20: 169.0, 21: 120.0, 22: 98.0, 23: 84.0, 24: 78.0, 25: 63.0, 26: 56.0, 27: 50.0, 28: 49.0, 29: 47.0, 30: 38.7, 31: 50.0, 32: 40.0, 33: 30.0, 34: 28.9, 35: 21.9, 36: 16.8, 37: 319.0, 38: 197.0, 39: 162.0, 40: 121.0, 41: 106.0, 42: 86.4, 43: 80.0, 44: 65.0, 45: 58.0, 46: 26.1, 47: 55.0, 48: 49.7, 49: 70.0, 50: 52.0, 51: 43.0, 52: 37.6, 53: 35.0, 54: 27.3, 55: 401.0, 56: 273.0, 57: 213.0, 58: 204.0, 59: 196.0, 60: 190.0, 61: 185.0, 62: 180.0, 63: 175.0, 64: 160.0, 65: 159.0, 66: 157.0, 67: 156.0, 68: 153.0, 69: 151.0, 70: 142.0, 71: 148.0, 72: 109.0, 73: 88.0, 74: 74.0, 75: 65.0, 76: 57.0, 77: 51.0, 78: 39.7, 79: 36.0, 80: 33.9, 81: 50.0, 82: 47.0, 83: 48.0, 84: 45.0, 85: 38.0, 86: 33.0}

_NORM = 0.1481847 / 14.3996


def _build_alpha_table():
    t = np.zeros(87, dtype=np.float32)
    for k, v in _ALPHA_DICT.items():
        t[k] = v
    return jnp.asarray(t)


def setup_inputs(seed: int = 0) -> dict:
    key = jax.random.key(seed)
    # atomic numbers uniform in [1, 86] (valid keys of alpha_dict)
    atomic_numbers = jax.random.randint(key, (1048576,), 1, 87, dtype=jnp.int32)
    alpha_table = _build_alpha_table()
    return {"atomic_numbers": atomic_numbers, "alpha_table": alpha_table}


def reference(atomic_numbers, alpha_table):
    # Faithful translation of AtomicAlpha.forward: per-element dict lookup
    # of alpha by atomic number, then scale by normalization_factor.
    alpha = jnp.take(alpha_table, atomic_numbers, axis=0)
    return alpha * _NORM

if __name__ == "__main__":
    import jax
    _d = setup_inputs()
    print(jax.jit(kernel)(*tuple(_d.values())))

</pallas_src>

<mosaic_0001>
#map = affine_map<(d0, d1) -> (0)>
module attributes {stable_mosaic.version = 14 : i64} {
  func.func @lookup(%arg0: i32, %arg1: i32, %arg2: memref<1048576xi32, #tpu.memory_space<hbm>>, %arg3: memref<87xf32, #tpu.memory_space<hbm>>, %arg4: memref<1048576xf32, #tpu.memory_space<hbm>>, %arg5: memref<128xf32, #tpu.memory_space<vmem>>, %arg6: memref<16384xi32, #tpu.memory_space<vmem>>, %arg7: memref<16384xi32, #tpu.memory_space<vmem>>, %arg8: memref<16384xf32, #tpu.memory_space<vmem>>, %arg9: memref<16384xf32, #tpu.memory_space<vmem>>, %arg10: memref<!tpu.dma_semaphore, #tpu.memory_space<semaphore_mem>>, %arg11: memref<!tpu.dma_semaphore, #tpu.memory_space<semaphore_mem>>, %arg12: memref<!tpu.dma_semaphore, #tpu.memory_space<semaphore_mem>>, %arg13: memref<!tpu.dma_semaphore, #tpu.memory_space<semaphore_mem>>) attributes {dimension_semantics = [#tpu.dimension_semantics<core_parallel>, #tpu.dimension_semantics<subcore_parallel>], iteration_bounds = array<i64: 2, 16>, scalar_prefetch = 0 : i64, scratch_operands = 9 : i64, tpu.core_type = #tpu.core_type<sc_vector_subcore>, window_params = [{transform_indices = #map}, {transform_indices = #map}, {transform_indices = #map}]} {
    %mul3A = arith.constant 2 : i32
    %mul3A_0 = arith.muli %arg1, %mul3A : i32
    %add3A = arith.addi %mul3A_0, %arg0 : i32
    %mul3A_1 = arith.constant 32768 : i32
    %mul3A_2 = arith.muli %add3A, %mul3A_1 : i32
    %dma_start3A = tpu.memref_slice %arg2[%mul3A_2] : memref<1048576xi32, #tpu.memory_space<hbm>> -> memref<16384xi32, #tpu.memory_space<hbm>>
    %dma_start3A_3 = tpu.memref_slice %arg2[%mul3A_2] : memref<1048576xi32, #tpu.memory_space<hbm>> -> memref<16384xi32, #tpu.memory_space<hbm>>
    tpu.enqueue_dma source(%dma_start3A_3 : memref<16384xi32, #tpu.memory_space<hbm>>) target(%arg6 : memref<16384xi32, #tpu.memory_space<vmem>>) target_semaphore(%arg10 : memref<!tpu.dma_semaphore, #tpu.memory_space<semaphore_mem>>)
    "tpu.region"() ({
      %run_scoped3A = tpu.sem_alloc : memref<!tpu.dma_semaphore, #tpu.memory_space<semaphore_mem>>
      %dma_start3A_82 = arith.constant 0 : i32
      %dma_start3A_83 = tpu.memref_slice %arg5[%dma_start3A_82] : memref<128xf32, #tpu.memory_space<vmem>> -> memref<87xf32, #tpu.memory_space<vmem>>
      %dma_start3A_84 = arith.constant 0 : i32
      %dma_start3A_85 = tpu.memref_slice %arg5[%dma_start3A_84] : memref<128xf32, #tpu.memory_space<vmem>> -> memref<87xf32, #tpu.memory_space<vmem>>
      tpu.enqueue_dma source(%arg3 : memref<87xf32, #tpu.memory_space<hbm>>) target(%dma_start3A_85 : memref<87xf32, #tpu.memory_space<vmem>>) target_semaphore(%run_scoped3A : memref<!tpu.dma_semaphore, #tpu.memory_space<semaphore_mem>>)
      %dma_wait3A_86 = arith.constant 0 : i32
      %dma_wait3A_87 = tpu.memref_slice %arg5[%dma_wait3A_86] : memref<128xf32, #tpu.memory_space<vmem>> -> memref<87xf32, #tpu.memory_space<vmem>>
      %dma_wait3A_88 = arith.constant 0 : i32
      %dma_wait3A_89 = tpu.memref_slice %arg5[%dma_wait3A_88] : memref<128xf32, #tpu.memory_space<vmem>> -> memref<87xf32, #tpu.memory_space<vmem>>
      tpu.wait_dma2 semaphore(%run_scoped3A : memref<!tpu.dma_semaphore, #tpu.memory_space<semaphore_mem>>) src(%arg3 : memref<87xf32, #tpu.memory_space<hbm>>) dst(%dma_wait3A_89 : memref<87xf32, #tpu.memory_space<vmem>>)
      tpu.yield
    }) : () -> ()
    %get3A = arith.constant 0 : index
    %get3A_4 = tpu.vector_load %arg5[%get3A] {strides = array<i32>} : memref<128xf32, #tpu.memory_space<vmem>>, vector<16xf32>,
    %mul3A_5 = arith.constant 0.01029089 : f32
    %mul3A_6 = vector.broadcast %mul3A_5 : f32 to vector<16xf32>
    %mul3A_7 = arith.mulf %get3A_4, %mul3A_6 : vector<16xf32>
    %swap3A = arith.constant 0 : index
    %swap3A_8 = tpu.vector_load %arg5[%swap3A] {strides = array<i32>} : memref<128xf32, #tpu.memory_space<vmem>>, vector<16xf32>,
    tpu.vector_store %arg5[%swap3A], %mul3A_7 {strides = array<i32>} : memref<128xf32, #tpu.memory_space<vmem>>, vector<16xf32>,
    %get3A_9 = arith.constant 16 : index
    %get3A_10 = tpu.vector_load %arg5[%get3A_9] {strides = array<i32>} : memref<128xf32, #tpu.memory_space<vmem>>, vector<16xf32>,
    %mul3A_11 = arith.constant 0.01029089 : f32
    %mul3A_12 = vector.broadcast %mul3A_11 : f32 to vector<16xf32>
    %mul3A_13 = arith.mulf %get3A_10, %mul3A_12 : vector<16xf32>
    %swap3A_14 = arith.constant 16 : index
    %swap3A_15 = tpu.vector_load %arg5[%swap3A_14] {strides = array<i32>} : memref<128xf32, #tpu.memory_space<vmem>>, vector<16xf32>,
    tpu.vector_store %arg5[%swap3A_14], %mul3A_13 {strides = array<i32>} : memref<128xf32, #tpu.memory_space<vmem>>, vector<16xf32>,
    %get3A_16 = arith.constant 32 : index
    %get3A_17 = tpu.vector_load %arg5[%get3A_16] {strides = array<i32>} : memref<128xf32, #tpu.memory_space<vmem>>, vector<16xf32>,
    %mul3A_18 = arith.constant 0.01029089 : f32
    %mul3A_19 = vector.broadcast %mul3A_18 : f32 to vector<16xf32>
    %mul3A_20 = arith.mulf %get3A_17, %mul3A_19 : vector<16xf32>
    %swap3A_21 = arith.constant 32 : index
    %swap3A_22 = tpu.vector_load %arg5[%swap3A_21] {strides = array<i32>} : memref<128xf32, #tpu.memory_space<vmem>>, vector<16xf32>,
    tpu.vector_store %arg5[%swap3A_21], %mul3A_20 {strides = array<i32>} : memref<128xf32, #tpu.memory_space<vmem>>, vector<16xf32>,
    %get3A_23 = arith.constant 48 : index
    %get3A_24 = tpu.vector_load %arg5[%get3A_23] {strides = array<i32>} : memref<128xf32, #tpu.memory_space<vmem>>, vector<16xf32>,
    %mul3A_25 = arith.constant 0.01029089 : f32
    %mul3A_26 = vector.broadcast %mul3A_25 : f32 to vector<16xf32>
    %mul3A_27 = arith.mulf %get3A_24, %mul3A_26 : vector<16xf32>
    %swap3A_28 = arith.constant 48 : index
    %swap3A_29 = tpu.vector_load %arg5[%swap3A_28] {strides = array<i32>} : memref<128xf32, #tpu.memory_space<vmem>>, vector<16xf32>,
    tpu.vector_store %arg5[%swap3A_28], %mul3A_27 {strides = array<i32>} : memref<128xf32, #tpu.memory_space<vmem>>, vector<16xf32>,
    %get3A_30 = arith.constant 64 : index
    %get3A_31 = tpu.vector_load %arg5[%get3A_30] {strides = array<i32>} : memref<128xf32, #tpu.memory_space<vmem>>, vector<16xf32>,
    %mul3A_32 = arith.constant 0.01029089 : f32
    %mul3A_33 = vector.broadcast %mul3A_32 : f32 to vector<16xf32>
    %mul3A_34 = arith.mulf %get3A_31, %mul3A_33 : vector<16xf32>
    %swap3A_35 = arith.constant 64 : index
    %swap3A_36 = tpu.vector_load %arg5[%swap3A_35] {strides = array<i32>} : memref<128xf32, #tpu.memory_space<vmem>>, vector<16xf32>,
    tpu.vector_store %arg5[%swap3A_35], %mul3A_34 {strides = array<i32>} : memref<128xf32, #tpu.memory_space<vmem>>, vector<16xf32>,
    %get3A_37 = arith.constant 80 : index
    %get3A_38 = tpu.vector_load %arg5[%get3A_37] {strides = array<i32>} : memref<128xf32, #tpu.memory_space<vmem>>, vector<16xf32>,
    %mul3A_39 = arith.constant 0.01029089 : f32
    %mul3A_40 = vector.broadcast %mul3A_39 : f32 to vector<16xf32>
    %mul3A_41 = arith.mulf %get3A_38, %mul3A_40 : vector<16xf32>
    %swap3A_42 = arith.constant 80 : index
    %swap3A_43 = tpu.vector_load %arg5[%swap3A_42] {strides = array<i32>} : memref<128xf32, #tpu.memory_space<vmem>>, vector<16xf32>,
    tpu.vector_store %arg5[%swap3A_42], %mul3A_41 {strides = array<i32>} : memref<128xf32, #tpu.memory_space<vmem>>, vector<16xf32>,
    %get3A_44 = arith.constant 96 : index
    %get3A_45 = tpu.vector_load %arg5[%get3A_44] {strides = array<i32>} : memref<128xf32, #tpu.memory_space<vmem>>, vector<16xf32>,
    %mul3A_46 = arith.constant 0.01029089 : f32
    %mul3A_47 = vector.broadcast %mul3A_46 : f32 to vector<16xf32>
    %mul3A_48 = arith.mulf %get3A_45, %mul3A_47 : vector<16xf32>
    %swap3A_49 = arith.constant 96 : index
    %swap3A_50 = tpu.vector_load %arg5[%swap3A_49] {strides = array<i32>} : memref<128xf32, #tpu.memory_space<vmem>>, vector<16xf32>,
    tpu.vector_store %arg5[%swap3A_49], %mul3A_48 {strides = array<i32>} : memref<128xf32, #tpu.memory_space<vmem>>, vector<16xf32>,
    %get3A_51 = arith.constant 112 : index
    %get3A_52 = tpu.vector_load %arg5[%get3A_51] {strides = array<i32>} : memref<128xf32, #tpu.memory_space<vmem>>, vector<16xf32>,
    %mul3A_53 = arith.constant 0.01029089 : f32
    %mul3A_54 = vector.broadcast %mul3A_53 : f32 to vector<16xf32>
    %mul3A_55 = arith.mulf %get3A_52, %mul3A_54 : vector<16xf32>
    %swap3A_56 = arith.constant 112 : index
    %swap3A_57 = tpu.vector_load %arg5[%swap3A_56] {strides = array<i32>} : memref<128xf32, #tpu.memory_space<vmem>>, vector<16xf32>,
    tpu.vector_store %arg5[%swap3A_56], %mul3A_55 {strides = array<i32>} : memref<128xf32, #tpu.memory_space<vmem>>, vector<16xf32>,
    %add3A_58 = arith.constant 16384 : i32
    %add3A_59 = arith.addi %mul3A_2, %add3A_58 : i32
    %dma_start3A_60 = tpu.memref_slice %arg2[%add3A_59] : memref<1048576xi32, #tpu.memory_space<hbm>> -> memref<16384xi32, #tpu.memory_space<hbm>>
    %dma_start3A_61 = tpu.memref_slice %arg2[%add3A_59] : memref<1048576xi32, #tpu.memory_space<hbm>> -> memref<16384xi32, #tpu.memory_space<hbm>>
    tpu.enqueue_dma source(%dma_start3A_61 : memref<16384xi32, #tpu.memory_space<hbm>>) target(%arg7 : memref<16384xi32, #tpu.memory_space<vmem>>) target_semaphore(%arg11 : memref<!tpu.dma_semaphore, #tpu.memory_space<semaphore_mem>>)
    %dma_wait3A = tpu.memref_slice %arg2[%mul3A_2] : memref<1048576xi32, #tpu.memory_space<hbm>> -> memref<16384xi32, #tpu.memory_space<hbm>>
    %dma_wait3A_62 = tpu.memref_slice %arg2[%mul3A_2] : memref<1048576xi32, #tpu.memory_space<hbm>> -> memref<16384xi32, #tpu.memory_space<hbm>>
    tpu.wait_dma2 semaphore(%arg10 : memref<!tpu.dma_semaphore, #tpu.memory_space<semaphore_mem>>) src(%dma_wait3A_62 : memref<16384xi32, #tpu.memory_space<hbm>>) dst(%arg6 : memref<16384xi32, #tpu.memory_space<vmem>>)
    %parallel_loop3A = arith.constant 0 : i32
    %parallel_loop3A_63 = arith.constant 16384 : i32
    %parallel_loop3A_64 = arith.constant 16 : i32
    scf.for %parallel_loop3A_82 = %parallel_loop3A to %parallel_loop3A_63 step %parallel_loop3A_64  : i32 {
      %parallel_loop3A_83 = arith.index_cast %parallel_loop3A_82 : i32 to index
      %parallel_loop3A_84 = tpu.vector_load %arg6[%parallel_loop3A_83] {strides = array<i32>} : memref<16384xi32, #tpu.memory_space<vmem>>, vector<16xi32>,
      %parallel_loop3A_85 = tpu.vector_load_idx %arg5[%parallel_loop3A_84] : memref<128xf32, #tpu.memory_space<vmem>>[vector<16xi32>], vector<16xf32>,
      %parallel_loop3A_86 = arith.index_cast %parallel_loop3A_82 : i32 to index
      %parallel_loop3A_87 = tpu.vector_load %arg8[%parallel_loop3A_86] {strides = array<i32>} : memref<16384xf32, #tpu.memory_space<vmem>>, vector<16xf32>,
      tpu.vector_store %arg8[%parallel_loop3A_86], %parallel_loop3A_85 {strides = array<i32>} : memref<16384xf32, #tpu.memory_space<vmem>>, vector<16xf32>,
    } {sc.loop_unroll_factor = 32 : i64, sc.parallel_access}
    %add3A_65 = arith.constant 0 : i32
    %add3A_66 = arith.addi %mul3A_2, %add3A_65 : i32
    %dma_start3A_67 = tpu.memref_slice %arg4[%add3A_66] : memref<1048576xf32, #tpu.memory_space<hbm>> -> memref<16384xf32, #tpu.memory_space<hbm>>
    %dma_start3A_68 = tpu.memref_slice %arg4[%add3A_66] : memref<1048576xf32, #tpu.memory_space<hbm>> -> memref<16384xf32, #tpu.memory_space<hbm>>
    tpu.enqueue_dma source(%arg8 : memref<16384xf32, #tpu.memory_space<vmem>>) target(%dma_start3A_68 : memref<16384xf32, #tpu.memory_space<hbm>>) target_semaphore(%arg12 : memref<!tpu.dma_semaphore, #tpu.memory_space<semaphore_mem>>)
    %dma_wait3A_69 = tpu.memref_slice %arg2[%add3A_59] : memref<1048576xi32, #tpu.memory_space<hbm>> -> memref<16384xi32, #tpu.memory_space<hbm>>
    %dma_wait3A_70 = tpu.memref_slice %arg2[%add3A_59] : memref<1048576xi32, #tpu.memory_space<hbm>> -> memref<16384xi32, #tpu.memory_space<hbm>>
    tpu.wait_dma2 semaphore(%arg11 : memref<!tpu.dma_semaphore, #tpu.memory_space<semaphore_mem>>) src(%dma_wait3A_70 : memref<16384xi32, #tpu.memory_space<hbm>>) dst(%arg7 : memref<16384xi32, #tpu.memory_space<vmem>>)
    %parallel_loop3A_71 = arith.constant 0 : i32
    %parallel_loop3A_72 = arith.constant 16384 : i32
    %parallel_loop3A_73 = arith.constant 16 : i32
    scf.for %parallel_loop3A_82 = %parallel_loop3A_71 to %parallel_loop3A_72 step %parallel_loop3A_73  : i32 {
      %parallel_loop3A_83 = arith.index_cast %parallel_loop3A_82 : i32 to index
      %parallel_loop3A_84 = tpu.vector_load %arg7[%parallel_loop3A_83] {strides = array<i32>} : memref<16384xi32, #tpu.memory_space<vmem>>, vector<16xi32>,
      %parallel_loop3A_85 = tpu.vector_load_idx %arg5[%parallel_loop3A_84] : memref<128xf32, #tpu.memory_space<vmem>>[vector<16xi32>], vector<16xf32>,
      %parallel_loop3A_86 = arith.index_cast %parallel_loop3A_82 : i32 to index
      %parallel_loop3A_87 = tpu.vector_load %arg9[%parallel_loop3A_86] {strides = array<i32>} : memref<16384xf32, #tpu.memory_space<vmem>>, vector<16xf32>,
      tpu.vector_store %arg9[%parallel_loop3A_86], %parallel_loop3A_85 {strides = array<i32>} : memref<16384xf32, #tpu.memory_space<vmem>>, vector<16xf32>,
    } {sc.loop_unroll_factor = 32 : i64, sc.parallel_access}
    %add3A_74 = arith.constant 16384 : i32
    %add3A_75 = arith.addi %mul3A_2, %add3A_74 : i32
    %dma_start3A_76 = tpu.memref_slice %arg4[%add3A_75] : memref<1048576xf32, #tpu.memory_space<hbm>> -> memref<16384xf32, #tpu.memory_space<hbm>>
    %dma_start3A_77 = tpu.memref_slice %arg4[%add3A_75] : memref<1048576xf32, #tpu.memory_space<hbm>> -> memref<16384xf32, #tpu.memory_space<hbm>>
    tpu.enqueue_dma source(%arg9 : memref<16384xf32, #tpu.memory_space<vmem>>) target(%dma_start3A_77 : memref<16384xf32, #tpu.memory_space<hbm>>) target_semaphore(%arg13 : memref<!tpu.dma_semaphore, #tpu.memory_space<semaphore_mem>>)
    %dma_wait3A_78 = tpu.memref_slice %arg4[%add3A_66] : memref<1048576xf32, #tpu.memory_space<hbm>> -> memref<16384xf32, #tpu.memory_space<hbm>>
    %dma_wait3A_79 = tpu.memref_slice %arg4[%add3A_66] : memref<1048576xf32, #tpu.memory_space<hbm>> -> memref<16384xf32, #tpu.memory_space<hbm>>
    tpu.wait_dma2 semaphore(%arg12 : memref<!tpu.dma_semaphore, #tpu.memory_space<semaphore_mem>>) src(%arg8 : memref<16384xf32, #tpu.memory_space<vmem>>) dst(%dma_wait3A_79 : memref<16384xf32, #tpu.memory_space<hbm>>)
    %dma_wait3A_80 = tpu.memref_slice %arg4[%add3A_75] : memref<1048576xf32, #tpu.memory_space<hbm>> -> memref<16384xf32, #tpu.memory_space<hbm>>
    %dma_wait3A_81 = tpu.memref_slice %arg4[%add3A_75] : memref<1048576xf32, #tpu.memory_space<hbm>> -> memref<16384xf32, #tpu.memory_space<hbm>>
    tpu.wait_dma2 semaphore(%arg13 : memref<!tpu.dma_semaphore, #tpu.memory_space<semaphore_mem>>) src(%arg9 : memref<16384xf32, #tpu.memory_space<vmem>>) dst(%dma_wait3A_81 : memref<16384xf32, #tpu.memory_space<hbm>>)
    return
  }
}

</mosaic_0001>

<sc_bundles>
// kernel: kernel.3.cloned.1.call-start
scs
__scs_entry_jumppad:
0x0: {  	(pc) =	sbr.rel $0x88, $3  }
0x1: {  	(tag) =	ssettag $0x0;
	lr =	simm.s32 $0x1  }
0x2: {  	[smem:$0x3F9F] =	sst lr;
	_ =	strace $0xD0000000  }
0x3: {  	_ = 	snop  }
0x4: {  	_ = 	snop  }
0x5: {  	_ = 	snop  }
0x6: {  	_ = 	snop  }
0x7: {  	_ = 	snop  }
__scs_overlays_trampoline_lowered:
0x8: {  	[smem:$0x3FAE] =	sst s0  }
0x9: {  	[smem:$0x3FAF] =	sst s1  }
0xa: {  	[smem:$0x3FB0] =	sst s2  }
0xb: {  	[smem:$0x3FB1] =	sst s3  }
0xc: {  	[smem:$0x3FB2] =	sst s4  }
0xd: {  	[smem:$0x3FB3] =	sst s5  }
0xe: {  	[smem:$0x3FB4] =	sst s6  }
0xf: {  	[smem:$0x3FB5] =	sst s7  }
0x10: {  	[smem:$0x3FB6] =	sst s8  }
0x11: {  	[smem:$0x3FB7] =	sst s9;
	s0 =	simm.s32 @!p0 $0x0  }
0x12: {  	s1 =	sld [smem:$0x3F9D];
	s0 =	simm.s32 @p0 $0x1  }
0x13: {  	[smem:$0x3FB8] =	sst s0;
	s0 =	simm.s32 @!p1 $0x0  }
0x14: {  	s2 =	sld [smem:$0x3F9C];
	s0 =	simm.s32 @p1 $0x1  }
0x15: {  	[smem:$0x3FB9] =	sst s0;
	s0 =	simm.s32 @!p2 $0x0  }
0x16: {  	s3 =	sld [smem:$0x3FDB];
	s0 =	simm.s32 @p2 $0x1  }
0x17: {  	s4 =	simm.s32 $0x1BF5;
	[smem:$0x3FBB] =	sst s0  }
0x18: {  	s0 =	sld [smem:$0x3F9E];
	_ =	swait.ge [sflag:s4], $0x0  }
0x19: {  	s7 =	sld [smem:$0x3F9F]  }
0x1a: {  	s8 =	sadd.s32 $0xFFFFE003, lr  }
0x1b: {  	s9 =	sadd.s32 $0xFFFFFEF7, lr;
	s5 =	simm.s32 $0xFFFFFFFF;
	p2 =	slt.u32 s8, $0xFFFFF086  }
0x1c: {  	p1 =	slt.u32 s9, $0xF7A;
	s5 =	simm.s32 @!p2 $0x0  }
0x1d: {  	s5 =	simm.s32 @p1 $0x1;
	p0 =	seq.s32 s7, s2  }
0x1e: {  	s7 =	smul.u32 @!p0 $0xF7A, s2;
	p2 =	seq.s32 @!p0 s5, $0x0  }
0x1f: {  	s9 =	smul.u32 $0xF7A, s1;
	s8 =	simm.s32 @!p0 $0x1BF5;
	p2 =	por !p2, p0  }
0x20: {  	[sflag:s8] =	ssyncset.s32 @!p0 $0xFFFFF086;
	s6 =	sadd.s32 @!p0 s3, s7;
	s7 =	simm.s32 @!p0 $0x108  }
0x21: {  	s3 =	sadd.s32 s3, s9;
	s6 =	sadd.s32 @!p0 $0x88, s6;
	s7 =	simm.s32 @p2 $0x1082  }
0x22: {  	[simem:s7], [sflag:s8] =	dma.local @!p0 [hbm:s6], $0xF7A  }
0x23: {  	s9 =	sor.u32 $0xD0000000, s2;
	s6 =	simm.s32 $0x108;
	_ =	swait.ge @!p0 [sflag:s8], $0x0  }
0x24: {  	s3 =	sadd.s32 $0x88, s3;
	s6 =	simm.s32 @!p1 $0x1082;
	[sflag:s4] =	ssyncset.s32 $0xFFFFF086  }
0x25: {  	[simem:s6], [sflag:s4] =	dma.local [hbm:s3], $0xF7A  }
0x26: {  	[smem:$0x3F9F] =	sst s1;
	(tag) =	ssettag s2;
	_ =	strace s9  }
0x27: {  	s1 =	sld [smem:$0x3FAF]  }
0x28: {  	s2 =	sld [smem:$0x3FB0]  }
0x29: {  	s4 =	sld [smem:$0x3FB2]  }
0x2a: {  	p0 =	seq.s32 s5, $0x0;
	s5 =	sld [smem:$0x3FB3]  }
0x2b: {  	s6 =	sld [smem:$0x3FB4]  }
0x2c: {  	s7 =	sld [smem:$0x3FB5]  }
0x2d: {  	s3 =	simm.s32 $0x108;
	s8 =	sld [smem:$0x3FB6]  }
0x2e: {  	s3 =	simm.s32 @!p0 $0x1082;
	s9 =	sld [smem:$0x3FB7]  }
0x2f: {  	lr =	sadd.s32 s0, s3;
	s0 =	sld [smem:$0x3FAE]  }
0x30: {  	s3 =	sld [smem:$0x3FB1]  }
0x31: {  	[smem:$0x3FBA] =	sst s10  }
0x32: {  	s10 =	sld [smem:$0x3FB8];
	_ =	sdelay $0x3  }
0x33: {  	p0 =	seq.s32 s10, $0x1;
	s10 =	sld [smem:$0x3FBA];
	_ =	sdelay $0x3  }
0x34: {  	[smem:$0x3FBA] =	sst s10  }
0x35: {  	s10 =	sld [smem:$0x3FB9];
	_ =	sdelay $0x3  }
0x36: {  	p1 =	seq.s32 s10, $0x1;
	s10 =	sld [smem:$0x3FBA];
	_ =	sdelay $0x3  }
0x37: {  	[smem:$0x3FBA] =	sst s10  }
0x38: {  	s10 =	sld [smem:$0x3FBB]  }
0x39: {  	_ = 	snop;
	(pc) =	sbr.ind lr, $3  }
0x3a: {  	_ = 	snop  }
0x3b: {  	_ = 	snop  }
0x3c: {  	p2 =	seq.s32 s10, $0x1;
	s10 =	sld [smem:$0x3FBA]  }
0x3d: {  	_ =	shalt  }
0x3e: {  	_ =	shalt  }
0x3f: {  	_ =	shalt  }
0x40: {  	_ =	shalt  }
0x41: {  	_ =	shalt  }
0x42: {  	_ =	shalt  }
0x43: {  	_ =	shalt  }
0x44: {  	_ =	shalt  }
0x45: {  	_ =	shalt  }
0x46: {  	_ =	shalt  }
0x47: {  	_ =	shalt  }
0x48: {  	_ =	shalt  }
0x49: {  	_ =	shalt  }
0x4a: {  	_ =	shalt  }
0x4b: {  	_ =	shalt  }
0x4c: {  	_ =	shalt  }
0x4d: {  	_ =	shalt  }
0x4e: {  	_ =	shalt  }
0x4f: {  	_ =	shalt  }
0x50: {  	_ =	shalt  }
0x51: {  	_ =	shalt  }
0x52: {  	_ =	shalt  }
0x53: {  	_ =	shalt  }
0x54: {  	_ =	shalt  }
0x55: {  	_ =	shalt  }
0x56: {  	_ =	shalt  }
0x57: {  	_ =	shalt  }
0x58: {  	_ =	shalt  }
0x59: {  	_ =	shalt  }
0x5a: {  	_ =	shalt  }
0x5b: {  	_ =	shalt  }
0x5c: {  	_ =	shalt  }
0x5d: {  	_ =	shalt  }
0x5e: {  	_ =	shalt  }
0x5f: {  	_ =	shalt  }
0x60: {  	_ =	shalt  }
0x61: {  	_ =	shalt  }
0x62: {  	_ =	shalt  }
0x63: {  	_ =	shalt  }
0x64: {  	_ =	shalt  }
0x65: {  	_ =	shalt  }
0x66: {  	_ =	shalt  }
0x67: {  	_ =	shalt  }
0x68: {  	_ =	shalt  }
0x69: {  	_ =	shalt  }
0x6a: {  	_ =	shalt  }
0x6b: {  	_ =	shalt  }
0x6c: {  	_ =	shalt  }
0x6d: {  	_ =	shalt  }
0x6e: {  	_ =	shalt  }
0x6f: {  	_ =	shalt  }
0x70: {  	_ =	shalt  }
0x71: {  	_ =	shalt  }
0x72: {  	_ =	shalt  }
0x73: {  	_ =	shalt  }
0x74: {  	_ =	shalt  }
0x75: {  	_ =	shalt  }
0x76: {  	_ =	shalt  }
0x77: {  	_ =	shalt  }
0x78: {  	_ =	shalt  }
0x79: {  	_ =	shalt  }
0x7a: {  	_ =	shalt  }
0x7b: {  	_ =	shalt  }
0x7c: {  	_ =	shalt  }
0x7d: {  	_ =	shalt  }
0x7e: {  	_ =	shalt  }
0x7f: {  	_ =	shalt  }
0x80: {  	_ =	shalt  }
0x81: {  	_ =	shalt  }
0x82: {  	_ =	shalt  }
0x83: {  	_ =	shalt  }
0x84: {  	_ =	shalt  }
0x85: {  	_ =	shalt  }
0x86: {  	_ =	shalt  }
0x87: {  	_ =	shalt  }
.Lfunc_end0:
.L_simem_size_0:
called_computation_lowered:
.L_overlay_start_0:
0x88: {  	s2 =	sld [smem:$0x3FD9]  }
0x89: {  	s3 =	sld [smem:$0x3FFE];
	_ =	sdelay $0x1  }
0x8a: {  	s1 =	srdreg.scid  }
0x8b: {  	s0 =	sand.u32 $0x1, s1  }
0x8c: {  	s18 =	sshll.u32 s0, $0xA;
	s2 =	sadd.s32 s3, s2  }
0x8d: {  	s2 =	sadd.s32 s2, s18  }
0x8e: {  	[smem:$0x3FC6] =	sst s2  }
0x8f: {  	_ = 	snop  }
0x90: {  	s2 =	sld [smem:$0x3FC9]  }
0x91: {  	s19 =	sld [smem:$0x3FC8]  }
0x92: {  	s4 =	sld [smem:$0x3FD0];
	(tm) =	ssettm $0x1  }
0x93: {  	s5 =	sld [smem:$0x3FFB];
	_ =	sdelay $0x3  }
0x94: {  	_ =	strace s5  }
0x95: {  	s5 =	sld [smem:$0x3FFC];
	_ =	sdelay $0x3  }
0x96: {  	_ =	strace s5  }
0x97: {  	s5 =	sld [smem:$0x3FFD];
	_ =	sdelay $0x3  }
0x98: {  	_ =	strace s5  }
0x99: {  	_ =	strace $0x8FFFFFFF  }
0x9a: {  	s20 =	sld [smem:$0x3FDB];
	_ =	sdelay $0x1  }
0x9b: {  	s6 =	simm.s32 $_scs_section_size  }
0x9c: {  	s7 =	simm.s32 $_size__tile_overlayer_lowered;
	s8 =	simm.s32 $_tile_overlayer_lowered  }
0x9d: {  	s23 =	simm.s32 $0x1BFF;
	s22 =	sshll.u32 s8, $0x1;
	s5 =	sadd.s32 s6, s20  }
0x9e: {  	s9 =	simm.s32 $0x0;
	s21 =	sshll.u32 s7, $0x1;
	s7 =	sadd.s32 s22, s5  }
0x9f: {  	[timem:s9], [sflag:s23] =	dma.local [hbm:s7], s21  }
0xa0: {  	_ =	swait.ge [sflag:s23], s21  }
0xa1: {  	s6 =	ssub.s32 $0x0, s21;
	[sflag:s23] =	ssyncset.done $0x0  }
0xa2: {  	[sflag:s23] =	ssyncadd.s32 s6;
	_ =	sdelay $0x1  }
0xa3: {  	s24 =	simm.s32 $0x1B8B  }
0xa4: {  	_ =	swait.ge [sflag:s24], $0x1  }
0xa5: {  	[sflag:s24] =	ssyncset.done $0x0  }
0xa6: {  	s25 =	simm.s32 $0x1B8E;
	[sflag:s24] =	ssyncadd.s32 $0xFFFFFFFF  }
0xa7: {  	s26 =	simm.s32 $execute0_lowered;
	[smem:$0x3FD2] =	sst s25  }
0xa8: {  	s6 =	sshll.u32 s26, $0x1;
	_ =	strace $0x80000046;
	[dreg:$0x1] =	wrdreg $0xFFFFFFFF  }
0xa9: {  	s28 =	simm.s32 $_size_execute0_lowered;
	s5 =	sadd.s32 s5, s6;
	[dreg:$0x0] =	wrdreg $0x0  }
0xaa: {  	s6 =	sshll.u32 s28, $0x1;
	[dreg:$0x2] =	wrdreg s5  }
0xab: {  	[dreg:$0x3] =	wrdreg s6  }
0xac: {  	[dreg:$0x4] =	wrdreg $0xC0  }
0xad: {  	_ =	task [dreg:s9], $0x5FFFF  }
0xae: {  	[dreg:$0x1] =	wrdreg $0xFFFFFFFF  }
0xaf: {  	[dreg:$0x0] =	wrdreg $0x60  }
0xb0: {  	[dreg:$0x2] =	wrdreg s2  }
0xb1: {  	[dreg:$0x3] =	wrdreg s19  }
0xb2: {  	[dreg:$0x4] =	wrdreg s4  }
0xb3: {  	[dreg:$0x5] =	wrdreg $0x9  }
0xb4: {  	_ =	task.clear_ibuf [dreg:s9], $0x6FFFF;
	_ =	strace $0x90000046  }
0xb5: {  	s29 =	simm.s32 $0x9;
	_ =	strace $0x80000048  }
0xb6: {  	_ =	swait.ge [sflag:s29], $0x1  }
0xb7: {  	[sflag:s29] =	ssyncadd.s32 $0xFFFFFFFF  }
0xb8: {  	_ =	strace $0x90000048  }
0xb9: {  	_ =	sfence  }
0xba: {  	s30 =	sld [smem:$0x0];
	_ =	sdelay $0x2  }
0xbb: {  	s31 =	sshll.u32 s1, $0xD;
	s1 =	sshrl.u32 s1, $0x2  }
0xbc: {  	s3 =	sand.u32 $0x4000, s31;
	s1 =	sadd.s32 s1, s30  }
0xbd: {  	s0 =	sor.u32 s3, s0;
	s1 =	sshll.u32 s1, $0x11  }
0xbe: {  	s0 =	sor.u32 s1, s0  }
0xbf: {  	s0 =	sadd.s32 $0x8F2B, s0  }
0xc0: {  	[sflag:s0] =	ssyncadd.remote.s32 $0x1  }
0xc1: {  	_ =	sfence.sel $0xFFFF  }
0xc2: {  	[dreg:$0x0] =	wrdreg $0xFFFFFFFF;
	(pc) =	sbr.abs _section_cstart, $3  }
0xc3: {  	[dreg:$0x1] =	wrdreg $0xFFFFFFFF  }
0xc4: {  	_ =	task.clear_ibuf [dreg:s9], $0x2FFFF;
	_ =	strace $0x9FFFFFFF  }
0xc5: {  	(tm) =	ssettm $0x7FFFFFFF  }
tec
execute0_lowered:
.L_overlay_start_1:
0x0: {  	(tag) =	ssettag $0x1  }
0x1: {  	s5 =	rddreg [dreg:$0x0]  }
0x2: {  	s1 =	rddreg [dreg:$0x1]  }
0x3: {  	s7 =	rddreg [dreg:$0x2]  }
0x4: {  	s0 =	rddreg [dreg:$0x3];
	s4 =	srdreg.scid  }
0x5: {  	s3 =	simm.s32 $0x0;
	s2 =	stileid.u32;
	s11 =	simm.s32 $0x4080  }
0x6: {  	s12 =	simm.s32 $0x1;
	s13 =	simm.s32 $0x8080;
	s14 =	simm.s32 $0x2  }
0x7: {  	s15 =	simm.s32 $0xC080;
	s16 =	simm.s32 $0x3;
	s17 =	simm.s32 $0x4  }
0x8: {  	s18 =	simm.s32 $0x0;
	s4 =	sand.u32 $0x1, s4;
	s8 =	sshll.u32 s2, $0xD  }
0x9: {  	[smem:$0x7FF] =	sst s3;
	s6 =	ssub.s32 $0x2, s4;
	s4 =	sshll.u32 s4, $0xC  }
0xa: {  	_ =	strace $0x80000047;
	s9 =	sshrl.u32 s6, $0x1;
	s8 =	sor.u32 s4, s8  }
0xb: {  	s9 =	ssub.s32 s6, s9;
	s10 =	sor.u32 $0x800, s8;
	s4 =	sadd.s32 s5, s8  }
0xc: {  	s6 =	sadd.s32 s7, s8;
	s5 =	sadd.s32 s5, s10;
	s7 =	sadd.s32 s7, s10  }
0xd: {  	s8 =	smax.u32 s9, $0x1;
	s9 =	simm.s32 $0x80;
	s10 =	simm.s32 $0x5  }
.LBB2_1:
0xe: {  	[tilespmem:s9], [sflag:$0x1] =	stream.linear.gather [hbm4b:s4+s3], $0x4000, $0x38;
	[tilespmem:$0x10080] =	vst v63  }
0xf: {  	_ = 	snop  }
0x10: {  	[tilespmem:s3], [sflag:$0x5] =	stream.linear.gather [hbm4b:s1+s3], $0x57, $0x38;
	[tilespmem:$0x10080] =	vst v63  }
0x11: {  	_ =	swait.ge [sflag:s10], $0x57  }
0x12: {  	[sflag:s10] =	ssyncset.done $0x0  }
0x13: {  	[sflag:s10] =	ssyncadd.s32 $0xFFFFFFA9  }
0x14: {  	v0 =	vld [tilespmem:$0x0]  }
0x15: {  	v1 =	vld [tilespmem:$0x10]  }
0x16: {  	v2 =	vld [tilespmem:$0x20]  }
0x17: {  	v3 =	vld [tilespmem:$0x30]  }
0x18: {  	v4 =	vld [tilespmem:$0x40]  }
0x19: {  	v5 =	vld [tilespmem:$0x50];
	v0 =	vmul.f32 $1.029089000e-02, v0  }
0x1a: {  	v6 =	vld [tilespmem:$0x60];
	v1 =	vmul.f32 $1.029089000e-02, v1  }
0x1b: {  	[tilespmem:$0x0] =	vst v0;
	v0 =	vmul.f32 $1.029089000e-02, v2;
	v2 =	vld [tilespmem:$0x70]  }
0x1c: {  	[tilespmem:$0x10] =	vst v1;
	v1 =	vmul.f32 $1.029089000e-02, v3  }
0x1d: {  	[tilespmem:$0x20] =	vst v0;
	v0 =	vmul.f32 $1.029089000e-02, v4  }
0x1e: {  	[tilespmem:$0x30] =	vst v1;
	v1 =	vmul.f32 $1.029089000e-02, v5  }
0x1f: {  	[tilespmem:$0x40] =	vst v0;
	v0 =	vmul.f32 $1.029089000e-02, v6  }
0x20: {  	[tilespmem:$0x50] =	vst v1;
	v1 =	vmul.f32 $1.029089000e-02, v2  }
0x21: {  	[tilespmem:$0x60] =	vst v0  }
0x22: {  	[tilespmem:$0x70] =	vst v1  }
0x23: {  	[tilespmem:s11], [sflag:$0x2] =	stream.linear.gather [hbm4b:s5+s3], $0x4000, $0x38;
	[tilespmem:$0x10080] =	vst v63  }
0x24: {  	_ =	swait.ge [sflag:s12], $0x4000  }
0x25: {  	[sflag:s12] =	ssyncset.done $0x0  }
0x26: {  	s19 =	simm.s32 $0x180;
	[sflag:s12] =	ssyncadd.s32 $0xFFFFC000  }
0x27: {  	v0 =	vld [tilespmem:s19+$0xF0]  }
0x28: {  	v1 =	vld [tilespmem:s19+$0xFFFFFF10]  }
0x29: {  	v2 =	vld [tilespmem:s19+$0xFFFFFF20]  }
0x2a: {  	v3 =	vld [tilespmem:s19+$0xFFFFFF30]  }
0x2b: {  	v4 =	vld [tilespmem:s19+$0xFFFFFF40]  }
0x2c: {  	v5 =	vld [tilespmem:s19+$0xFFFFFF50]  }
0x2d: {  	v6 =	vld [tilespmem:s19+$0xFFFFFF60]  }
0x2e: {  	v7 =	vld [tilespmem:s19+$0xFFFFFF70]  }
0x2f: {  	v8 =	vld [tilespmem:s19+$0xFFFFFF80]  }
0x30: {  	v9 =	vld [tilespmem:s19+$0xFFFFFF90]  }
0x31: {  	v10 =	vld [tilespmem:s19+$0xFFFFFFA0]  }
0x32: {  	v11 =	vld [tilespmem:s19+$0xFFFFFFB0]  }
0x33: {  	v12 =	vld [tilespmem:s19+$0xFFFFFFC0]  }
0x34: {  	v13 =	vld [tilespmem:s19+$0xFFFFFFD0]  }
0x35: {  	v14 =	vld [tilespmem:s19+$0xFFFFFFE0]  }
0x36: {  	v15 =	vld [tilespmem:s19+$0xFFFFFFF0]  }
0x37: {  	v16 =	vld [tilespmem:s19+$0x0]  }
0x38: {  	v17 =	vld [tilespmem:s19+$0x10]  }
0x39: {  	v18 =	vld [tilespmem:s19+$0x20]  }
0x3a: {  	v19 =	vld [tilespmem:s19+$0x30]  }
0x3b: {  	v20 =	vld [tilespmem:s19+$0x40]  }
0x3c: {  	v21 =	vld [tilespmem:s19+$0x50]  }
0x3d: {  	v22 =	vld [tilespmem:s19+$0x60]  }
0x3e: {  	v23 =	vld [tilespmem:s19+$0x70]  }
0x3f: {  	v24 =	vld [tilespmem:s19+$0x80]  }
0x40: {  	v25 =	vld [tilespmem:s19+$0x90]  }
0x41: {  	v26 =	vld [tilespmem:s19+$0xA0]  }
0x42: {  	v27 =	vld [tilespmem:s19+$0xB0]  }
0x43: {  	v28 =	vld [tilespmem:s19+$0xC0]  }
0x44: {  	v29 =	vld [tilespmem:s19+$0xD0]  }
0x45: {  	v30 =	vld [tilespmem:s19+$0xE0]  }
0x46: {  	v31 =	vld [tilespmem:s19+$0xFFFFFF00]  }
0x47: {  	v0 =	vld.idx.msk [tilespmem:v0+s3+$0x0], $0xffff  }
0x48: {  	v1 =	vld.idx.msk [tilespmem:v1+s3+$0x0], $0xffff  }
0x49: {  	v2 =	vld.idx.msk [tilespmem:v2+s3+$0x0], $0xffff  }
0x4a: {  	v3 =	vld.idx.msk [tilespmem:v3+s3+$0x0], $0xffff  }
0x4b: {  	v4 =	vld.idx.msk [tilespmem:v4+s3+$0x0], $0xffff  }
0x4c: {  	s19 =	simm.s32 $0x8180;
	v5 =	vld.idx.msk [tilespmem:v5+s3+$0x0], $0xffff  }
0x4d: {  	[tilespmem:s19+$0xF0] =	vst v0;
	v0 =	vld.idx.msk [tilespmem:v6+s3+$0x0], $0xffff  }
0x4e: {  	[tilespmem:s19+$0xFFFFFF10] =	vst v1;
	v1 =	vld.idx.msk [tilespmem:v7+s3+$0x0], $0xffff  }
0x4f: {  	v6 =	vld.idx.msk [tilespmem:v31+s3+$0x0], $0xffff;
	[tilespmem:s19+$0xFFFFFF20] =	vst v2  }
0x50: {  	[tilespmem:s19+$0xFFFFFF30] =	vst v3;
	v2 =	vld.idx.msk [tilespmem:v8+s3+$0x0], $0xffff  }
0x51: {  	[tilespmem:s19+$0xFFFFFF40] =	vst v4;
	v3 =	vld.idx.msk [tilespmem:v9+s3+$0x0], $0xffff  }
0x52: {  	[tilespmem:s19+$0xFFFFFF50] =	vst v5;
	v4 =	vld.idx.msk [tilespmem:v10+s3+$0x0], $0xffff  }
0x53: {  	v5 =	vld.idx.msk [tilespmem:v13+s3+$0x0], $0xffff;
	[tilespmem:s19+$0xFFFFFF60] =	vst v0  }
0x54: {  	v7 =	vld.idx.msk [tilespmem:v24+s3+$0x0], $0xffff;
	[tilespmem:s19+$0xFFFFFF70] =	vst v1  }
0x55: {  	v0 =	vld.idx.msk [tilespmem:v11+s3+$0x0], $0xffff;
	[tilespmem:s19+$0xFFFFFF00] =	vst v6  }
0x56: {  	v1 =	vld.idx.msk [tilespmem:v12+s3+$0x0], $0xffff;
	[tilespmem:s19+$0xFFFFFF80] =	vst v2  }
0x57: {  	v2 =	vld.idx.msk [tilespmem:v14+s3+$0x0], $0xffff;
	[tilespmem:s19+$0xFFFFFF90] =	vst v3  }
0x58: {  	v3 =	vld.idx.msk [tilespmem:v15+s3+$0x0], $0xffff;
	[tilespmem:s19+$0xFFFFFFA0] =	vst v4  }
0x59: {  	v4 =	vld.idx.msk [tilespmem:v16+s3+$0x0], $0xffff;
	[tilespmem:s19+$0xFFFFFFD0] =	vst v5  }
0x5a: {  	v5 =	vld.idx.msk [tilespmem:v19+s3+$0x0], $0xffff;
	[tilespmem:s19+$0x80] =	vst v7  }
0x5b: {  	v6 =	vld.idx.msk [tilespmem:v23+s3+$0x0], $0xffff;
	[tilespmem:s19+$0xFFFFFFB0] =	vst v0  }
0x5c: {  	v0 =	vld.idx.msk [tilespmem:v17+s3+$0x0], $0xffff;
	[tilespmem:s19+$0xFFFFFFC0] =	vst v1  }
0x5d: {  	v1 =	vld.idx.msk [tilespmem:v18+s3+$0x0], $0xffff;
	[tilespmem:s19+$0xFFFFFFE0] =	vst v2  }
0x5e: {  	v2 =	vld.idx.msk [tilespmem:v20+s3+$0x0], $0xffff;
	[tilespmem:s19+$0xFFFFFFF0] =	vst v3  }
0x5f: {  	v3 =	vld.idx.msk [tilespmem:v21+s3+$0x0], $0xffff;
	[tilespmem:s19+$0x0] =	vst v4  }
0x60: {  	v4 =	vld.idx.msk [tilespmem:v22+s3+$0x0], $0xffff;
	[tilespmem:s19+$0x30] =	vst v5  }
0x61: {  	[tilespmem:s19+$0x70] =	vst v6;
	v5 =	vld.idx.msk [tilespmem:v30+s3+$0x0], $0xffff  }
0x62: {  	[tilespmem:s19+$0x10] =	vst v0;
	v0 =	vld.idx.msk [tilespmem:v25+s3+$0x0], $0xffff  }
0x63: {  	[tilespmem:s19+$0x20] =	vst v1;
	v1 =	vld.idx.msk [tilespmem:v26+s3+$0x0], $0xffff  }
0x64: {  	[tilespmem:s19+$0x40] =	vst v2;
	v2 =	vld.idx.msk [tilespmem:v27+s3+$0x0], $0xffff  }
0x65: {  	[tilespmem:s19+$0x50] =	vst v3;
	v3 =	vld.idx.msk [tilespmem:v28+s3+$0x0], $0xffff  }
0x66: {  	s20 =	simm.s32 $0x0;
	s21 =	simm.s32 $0x380;
	[tilespmem:s19+$0x60] =	vst v4;
	v4 =	vld.idx.msk [tilespmem:v29+s3+$0x0], $0xffff  }
.LBB2_2:
0x67: {  	v6 =	vld [tilespmem:s21+$0xF0];
	s20 =	sadd.s32 $0x200, s20;
	[tilespmem:s19+$0x90] =	vst v0  }
0x68: {  	v0 =	vld [tilespmem:s21+$0xFFFFFF10];
	p0 =	slt.u32 s20, $0x3E00;
	[tilespmem:s19+$0xA0] =	vst v1  }
0x69: {  	v1 =	vld [tilespmem:s21+$0xFFFFFF20];
	[tilespmem:s19+$0xB0] =	vst v2  }
0x6a: {  	v2 =	vld [tilespmem:s21+$0xFFFFFF30];
	[tilespmem:s19+$0xC0] =	vst v3  }
0x6b: {  	v3 =	vld [tilespmem:s21+$0xFFFFFF40];
	[tilespmem:s19+$0xD0] =	vst v4  }
0x6c: {  	v4 =	vld [tilespmem:s21+$0xFFFFFF50];
	[tilespmem:s19+$0xE0] =	vst v5  }
0x6d: {  	v5 =	vld [tilespmem:s21+$0xFFFFFF60]  }
0x6e: {  	v7 =	vld [tilespmem:s21+$0xFFFFFF70]  }
0x6f: {  	v6 =	vld.idx.msk [tilespmem:v6+s3+$0x0], $0xffff  }
0x70: {  	v8 =	vld [tilespmem:s21+$0xFFFFFF80]  }
0x71: {  	v9 =	vld [tilespmem:s21+$0xFFFFFF90]  }
0x72: {  	v10 =	vld [tilespmem:s21+$0xFFFFFFA0]  }
0x73: {  	v11 =	vld [tilespmem:s21+$0xFFFFFFB0]  }
0x74: {  	s19 =	sadd.s32 $0x200, s19;
	v12 =	vld [tilespmem:s21+$0xFFFFFFC0]  }
0x75: {  	v13 =	vld [tilespmem:s21+$0xFFFFFFD0];
	[tilespmem:s19+$0xF0] =	vst v6  }
0x76: {  	v6 =	vld [tilespmem:s21+$0xFFFFFFE0]  }
0x77: {  	v14 =	vld [tilespmem:s21+$0xFFFFFFF0]  }
0x78: {  	v15 =	vld [tilespmem:s21+$0x0]  }
0x79: {  	v16 =	vld [tilespmem:s21+$0x10]  }
0x7a: {  	v17 =	vld [tilespmem:s21+$0x20]  }
0x7b: {  	v18 =	vld [tilespmem:s21+$0x30]  }
0x7c: {  	v19 =	vld [tilespmem:s21+$0x40]  }
0x7d: {  	v20 =	vld [tilespmem:s21+$0x50]  }
0x7e: {  	v21 =	vld [tilespmem:s21+$0x60]  }
0x7f: {  	v22 =	vld [tilespmem:s21+$0x70]  }
0x80: {  	v23 =	vld [tilespmem:s21+$0x80]  }
0x81: {  	v24 =	vld [tilespmem:s21+$0x90]  }
0x82: {  	v25 =	vld [tilespmem:s21+$0xA0]  }
0x83: {  	v26 =	vld [tilespmem:s21+$0xB0]  }
0x84: {  	v27 =	vld [tilespmem:s21+$0xC0]  }
0x85: {  	v28 =	vld [tilespmem:s21+$0xD0]  }
0x86: {  	v29 =	vld [tilespmem:s21+$0xE0]  }
0x87: {  	v30 =	vld [tilespmem:s21+$0xFFFFFF00]  }
0x88: {  	v0 =	vld.idx.msk [tilespmem:v0+s3+$0x0], $0xffff  }
0x89: {  	v1 =	vld.idx.msk [tilespmem:v1+s3+$0x0], $0xffff  }
0x8a: {  	v2 =	vld.idx.msk [tilespmem:v2+s3+$0x0], $0xffff  }
0x8b: {  	v3 =	vld.idx.msk [tilespmem:v3+s3+$0x0], $0xffff  }
0x8c: {  	v4 =	vld.idx.msk [tilespmem:v4+s3+$0x0], $0xffff  }
0x8d: {  	v5 =	vld.idx.msk [tilespmem:v5+s3+$0x0], $0xffff  }
0x8e: {  	[tilespmem:s19+$0xFFFFFF10] =	vst v0;
	v0 =	vld.idx.msk [tilespmem:v7+s3+$0x0], $0xffff  }
0x8f: {  	v7 =	vld.idx.msk [tilespmem:v30+s3+$0x0], $0xffff;
	[tilespmem:s19+$0xFFFFFF20] =	vst v1  }
0x90: {  	[tilespmem:s19+$0xFFFFFF30] =	vst v2;
	v1 =	vld.idx.msk [tilespmem:v8+s3+$0x0], $0xffff  }
0x91: {  	[tilespmem:s19+$0xFFFFFF40] =	vst v3;
	v2 =	vld.idx.msk [tilespmem:v9+s3+$0x0], $0xffff  }
0x92: {  	[tilespmem:s19+$0xFFFFFF50] =	vst v4;
	v3 =	vld.idx.msk [tilespmem:v10+s3+$0x0], $0xffff  }
0x93: {  	[tilespmem:s19+$0xFFFFFF60] =	vst v5;
	v4 =	vld.idx.msk [tilespmem:v11+s3+$0x0], $0xffff  }
0x94: {  	[tilespmem:s19+$0xFFFFFF70] =	vst v0;
	v0 =	vld.idx.msk [tilespmem:v12+s3+$0x0], $0xffff  }
0x95: {  	[tilespmem:s19+$0xFFFFFF00] =	vst v7;
	v5 =	vld.idx.msk [tilespmem:v13+s3+$0x0], $0xffff  }
0x96: {  	[tilespmem:s19+$0xFFFFFF80] =	vst v1;
	v1 =	vld.idx.msk [tilespmem:v6+s3+$0x0], $0xffff  }
0x97: {  	[tilespmem:s19+$0xFFFFFF90] =	vst v2;
	v2 =	vld.idx.msk [tilespmem:v14+s3+$0x0], $0xffff  }
0x98: {  	[tilespmem:s19+$0xFFFFFFA0] =	vst v3;
	v3 =	vld.idx.msk [tilespmem:v15+s3+$0x0], $0xffff  }
0x99: {  	[tilespmem:s19+$0xFFFFFFB0] =	vst v4;
	v4 =	vld.idx.msk [tilespmem:v16+s3+$0x0], $0xffff  }
0x9a: {  	[tilespmem:s19+$0xFFFFFFC0] =	vst v0;
	v0 =	vld.idx.msk [tilespmem:v17+s3+$0x0], $0xffff  }
0x9b: {  	[tilespmem:s19+$0xFFFFFFD0] =	vst v5;
	v5 =	vld.idx.msk [tilespmem:v18+s3+$0x0], $0xffff  }
0x9c: {  	[tilespmem:s19+$0xFFFFFFE0] =	vst v1;
	v1 =	vld.idx.msk [tilespmem:v19+s3+$0x0], $0xffff  }
0x9d: {  	[tilespmem:s19+$0xFFFFFFF0] =	vst v2;
	v2 =	vld.idx.msk [tilespmem:v20+s3+$0x0], $0xffff  }
0x9e: {  	[tilespmem:s19+$0x0] =	vst v3;
	v3 =	vld.idx.msk [tilespmem:v21+s3+$0x0], $0xffff  }
0x9f: {  	[tilespmem:s19+$0x10] =	vst v4;
	v4 =	vld.idx.msk [tilespmem:v22+s3+$0x0], $0xffff  }
0xa0: {  	[tilespmem:s19+$0x20] =	vst v0;
	v6 =	vld.idx.msk [tilespmem:v23+s3+$0x0], $0xffff  }
0xa1: {  	[tilespmem:s19+$0x30] =	vst v5;
	v0 =	vld.idx.msk [tilespmem:v24+s3+$0x0], $0xffff  }
.Ltmp0:
0xa2: {  	[tilespmem:s19+$0x40] =	vst v1;
	v1 =	vld.idx.msk [tilespmem:v25+s3+$0x0], $0xffff;
	(pc) =	sbr.rel @p0 .LBB2_2-.Ltmp0, $4  }
0xa3: {  	[tilespmem:s19+$0x50] =	vst v2;
	v2 =	vld.idx.msk [tilespmem:v26+s3+$0x0], $0xffff  }
0xa4: {  	[tilespmem:s19+$0x60] =	vst v3;
	v3 =	vld.idx.msk [tilespmem:v27+s3+$0x0], $0xffff  }
0xa5: {  	[tilespmem:s19+$0x70] =	vst v4;
	v4 =	vld.idx.msk [tilespmem:v28+s3+$0x0], $0xffff  }
0xa6: {  	s21 =	sadd.s32 $0x200, s21;
	[tilespmem:s19+$0x80] =	vst v6;
	v5 =	vld.idx.msk [tilespmem:v29+s3+$0x0], $0xffff  }
0xa7: {  	[tilespmem:s19+$0x90] =	vst v0  }
0xa8: {  	[tilespmem:s19+$0xA0] =	vst v1  }
0xa9: {  	[tilespmem:s19+$0xB0] =	vst v2  }
0xaa: {  	[tilespmem:s19+$0xC0] =	vst v3  }
0xab: {  	[tilespmem:s19+$0xD0] =	vst v4  }
0xac: {  	[tilespmem:s19+$0xE0] =	vst v5  }
0xad: {  	[hbm4b:s6+s3] =	stream.linear.scatter [tilespmem:s13], [sflag:$0x3], $0x4000, $0x38;
	[tilespmem:$0x10080] =	vst v63  }
0xae: {  	_ =	swait.ge [sflag:s14], $0x4000  }
0xaf: {  	[sflag:s14] =	ssyncset.done $0x0  }
0xb0: {  	s31 =	simm.s32 $0x4180;
	[sflag:s14] =	ssyncadd.s32 $0xFFFFC000  }
0xb1: {  	v0 =	vld [tilespmem:s31+$0xF0]  }
0xb2: {  	v1 =	vld [tilespmem:s31+$0xFFFFFF10]  }
0xb3: {  	v2 =	vld [tilespmem:s31+$0xFFFFFF20]  }
0xb4: {  	v3 =	vld [tilespmem:s31+$0xFFFFFF30]  }
0xb5: {  	v4 =	vld [tilespmem:s31+$0xFFFFFF40]  }
0xb6: {  	v5 =	vld [tilespmem:s31+$0xFFFFFF50]  }
0xb7: {  	v6 =	vld [tilespmem:s31+$0xFFFFFF60]  }
0xb8: {  	v7 =	vld [tilespmem:s31+$0xFFFFFF70]  }
0xb9: {  	v8 =	vld [tilespmem:s31+$0xFFFFFF80]  }
0xba: {  	v9 =	vld [tilespmem:s31+$0xFFFFFF90]  }
0xbb: {  	v10 =	vld [tilespmem:s31+$0xFFFFFFA0]  }
0xbc: {  	v11 =	vld [tilespmem:s31+$0xFFFFFFB0]  }
0xbd: {  	v12 =	vld [tilespmem:s31+$0xFFFFFFC0]  }
0xbe: {  	v13 =	vld [tilespmem:s31+$0xFFFFFFD0]  }
0xbf: {  	v14 =	vld [tilespmem:s31+$0xFFFFFFE0]  }
0xc0: {  	v15 =	vld [tilespmem:s31+$0xFFFFFFF0]  }
0xc1: {  	v16 =	vld [tilespmem:s31+$0x0]  }
0xc2: {  	v17 =	vld [tilespmem:s31+$0x10]  }
0xc3: {  	v18 =	vld [tilespmem:s31+$0x20]  }
0xc4: {  	v19 =	vld [tilespmem:s31+$0x30]  }
0xc5: {  	v20 =	vld [tilespmem:s31+$0x40]  }
0xc6: {  	v21 =	vld [tilespmem:s31+$0x50]  }
0xc7: {  	v22 =	vld [tilespmem:s31+$0x60]  }
0xc8: {  	v23 =	vld [tilespmem:s31+$0x70]  }
0xc9: {  	v24 =	vld [tilespmem:s31+$0x80]  }
0xca: {  	v25 =	vld [tilespmem:s31+$0x90]  }
0xcb: {  	v26 =	vld [tilespmem:s31+$0xA0]  }
0xcc: {  	v27 =	vld [tilespmem:s31+$0xB0]  }
0xcd: {  	v28 =	vld [tilespmem:s31+$0xC0]  }
0xce: {  	v29 =	vld [tilespmem:s31+$0xD0]  }
0xcf: {  	v30 =	vld [tilespmem:s31+$0xE0]  }
0xd0: {  	v31 =	vld [tilespmem:s31+$0xFFFFFF00]  }
0xd1: {  	v0 =	vld.idx.msk [tilespmem:v0+s3+$0x0], $0xffff  }
0xd2: {  	v1 =	vld.idx.msk [tilespmem:v1+s3+$0x0], $0xffff  }
0xd3: {  	v2 =	vld.idx.msk [tilespmem:v2+s3+$0x0], $0xffff  }
0xd4: {  	v3 =	vld.idx.msk [tilespmem:v3+s3+$0x0], $0xffff  }
0xd5: {  	v4 =	vld.idx.msk [tilespmem:v4+s3+$0x0], $0xffff  }
0xd6: {  	s19 =	simm.s32 $0xC180;
	v5 =	vld.idx.msk [tilespmem:v5+s3+$0x0], $0xffff  }
0xd7: {  	[tilespmem:s19+$0xF0] =	vst v0;
	v0 =	vld.idx.msk [tilespmem:v6+s3+$0x0], $0xffff  }
0xd8: {  	[tilespmem:s19+$0xFFFFFF10] =	vst v1;
	v1 =	vld.idx.msk [tilespmem:v7+s3+$0x0], $0xffff  }
0xd9: {  	v6 =	vld.idx.msk [tilespmem:v31+s3+$0x0], $0xffff;
	[tilespmem:s19+$0xFFFFFF20] =	vst v2  }
0xda: {  	[tilespmem:s19+$0xFFFFFF30] =	vst v3;
	v2 =	vld.idx.msk [tilespmem:v8+s3+$0x0], $0xffff  }
0xdb: {  	[tilespmem:s19+$0xFFFFFF40] =	vst v4;
	v3 =	vld.idx.msk [tilespmem:v9+s3+$0x0], $0xffff  }
0xdc: {  	[tilespmem:s19+$0xFFFFFF50] =	vst v5;
	v4 =	vld.idx.msk [tilespmem:v10+s3+$0x0], $0xffff  }
0xdd: {  	v5 =	vld.idx.msk [tilespmem:v13+s3+$0x0], $0xffff;
	[tilespmem:s19+$0xFFFFFF60] =	vst v0  }
0xde: {  	v7 =	vld.idx.msk [tilespmem:v24+s3+$0x0], $0xffff;
	[tilespmem:s19+$0xFFFFFF70] =	vst v1  }
0xdf: {  	v0 =	vld.idx.msk [tilespmem:v11+s3+$0x0], $0xffff;
	[tilespmem:s19+$0xFFFFFF00] =	vst v6  }
0xe0: {  	v1 =	vld.idx.msk [tilespmem:v12+s3+$0x0], $0xffff;
	[tilespmem:s19+$0xFFFFFF80] =	vst v2  }
0xe1: {  	v2 =	vld.idx.msk [tilespmem:v14+s3+$0x0], $0xffff;
	[tilespmem:s19+$0xFFFFFF90] =	vst v3  }
0xe2: {  	v3 =	vld.idx.msk [tilespmem:v15+s3+$0x0], $0xffff;
	[tilespmem:s19+$0xFFFFFFA0] =	vst v4  }
0xe3: {  	v4 =	vld.idx.msk [tilespmem:v16+s3+$0x0], $0xffff;
	[tilespmem:s19+$0xFFFFFFD0] =	vst v5  }
0xe4: {  	v5 =	vld.idx.msk [tilespmem:v19+s3+$0x0], $0xffff;
	[tilespmem:s19+$0x80] =	vst v7  }
0xe5: {  	v6 =	vld.idx.msk [tilespmem:v23+s3+$0x0], $0xffff;
	[tilespmem:s19+$0xFFFFFFB0] =	vst v0  }
0xe6: {  	v0 =	vld.idx.msk [tilespmem:v17+s3+$0x0], $0xffff;
	[tilespmem:s19+$0xFFFFFFC0] =	vst v1  }
0xe7: {  	v1 =	vld.idx.msk [tilespmem:v18+s3+$0x0], $0xffff;
	[tilespmem:s19+$0xFFFFFFE0] =	vst v2  }
0xe8: {  	v2 =	vld.idx.msk [tilespmem:v20+s3+$0x0], $0xffff;
	[tilespmem:s19+$0xFFFFFFF0] =	vst v3  }
0xe9: {  	v3 =	vld.idx.msk [tilespmem:v21+s3+$0x0], $0xffff;
	[tilespmem:s19+$0x0] =	vst v4  }
0xea: {  	v4 =	vld.idx.msk [tilespmem:v22+s3+$0x0], $0xffff;
	[tilespmem:s19+$0x30] =	vst v5  }
0xeb: {  	[tilespmem:s19+$0x70] =	vst v6;
	v5 =	vld.idx.msk [tilespmem:v30+s3+$0x0], $0xffff  }
0xec: {  	[tilespmem:s19+$0x10] =	vst v0;
	v0 =	vld.idx.msk [tilespmem:v25+s3+$0x0], $0xffff  }
0xed: {  	[tilespmem:s19+$0x20] =	vst v1;
	v1 =	vld.idx.msk [tilespmem:v26+s3+$0x0], $0xffff  }
0xee: {  	[tilespmem:s19+$0x40] =	vst v2;
	v2 =	vld.idx.msk [tilespmem:v27+s3+$0x0], $0xffff  }
0xef: {  	[tilespmem:s19+$0x50] =	vst v3;
	v3 =	vld.idx.msk [tilespmem:v28+s3+$0x0], $0xffff  }
0xf0: {  	s20 =	simm.s32 $0x0;
	s21 =	simm.s32 $0x4380;
	[tilespmem:s19+$0x60] =	vst v4;
	v4 =	vld.idx.msk [tilespmem:v29+s3+$0x0], $0xffff  }
.LBB2_4:
0xf1: {  	v6 =	vld [tilespmem:s21+$0xF0];
	s20 =	sadd.s32 $0x200, s20;
	[tilespmem:s19+$0x90] =	vst v0  }
0xf2: {  	v0 =	vld [tilespmem:s21+$0xFFFFFF10];
	p0 =	slt.u32 s20, $0x3E00;
	[tilespmem:s19+$0xA0] =	vst v1  }
0xf3: {  	v1 =	vld [tilespmem:s21+$0xFFFFFF20];
	[tilespmem:s19+$0xB0] =	vst v2  }
0xf4: {  	v2 =	vld [tilespmem:s21+$0xFFFFFF30];
	[tilespmem:s19+$0xC0] =	vst v3  }
0xf5: {  	v3 =	vld [tilespmem:s21+$0xFFFFFF40];
	[tilespmem:s19+$0xD0] =	vst v4  }
0xf6: {  	v4 =	vld [tilespmem:s21+$0xFFFFFF50];
	[tilespmem:s19+$0xE0] =	vst v5  }
0xf7: {  	v5 =	vld [tilespmem:s21+$0xFFFFFF60]  }
0xf8: {  	v7 =	vld [tilespmem:s21+$0xFFFFFF70]  }
0xf9: {  	v6 =	vld.idx.msk [tilespmem:v6+s3+$0x0], $0xffff  }
0xfa: {  	v8 =	vld [tilespmem:s21+$0xFFFFFF80]  }
0xfb: {  	v9 =	vld [tilespmem:s21+$0xFFFFFF90]  }
0xfc: {  	v10 =	vld [tilespmem:s21+$0xFFFFFFA0]  }
0xfd: {  	v11 =	vld [tilespmem:s21+$0xFFFFFFB0]  }
0xfe: {  	s19 =	sadd.s32 $0x200, s19;
	v12 =	vld [tilespmem:s21+$0xFFFFFFC0]  }
0xff: {  	v13 =	vld [tilespmem:s21+$0xFFFFFFD0];
	[tilespmem:s19+$0xF0] =	vst v6  }
0x100: {  	v6 =	vld [tilespmem:s21+$0xFFFFFFE0]  }
0x101: {  	v14 =	vld [tilespmem:s21+$0xFFFFFFF0]  }
0x102: {  	v15 =	vld [tilespmem:s21+$0x0]  }
0x103: {  	v16 =	vld [tilespmem:s21+$0x10]  }
0x104: {  	v17 =	vld [tilespmem:s21+$0x20]  }
0x105: {  	v18 =	vld [tilespmem:s21+$0x30]  }
0x106: {  	v19 =	vld [tilespmem:s21+$0x40]  }
0x107: {  	v20 =	vld [tilespmem:s21+$0x50]  }
0x108: {  	v21 =	vld [tilespmem:s21+$0x60]  }
0x109: {  	v22 =	vld [tilespmem:s21+$0x70]  }
0x10a: {  	v23 =	vld [tilespmem:s21+$0x80]  }
0x10b: {  	v24 =	vld [tilespmem:s21+$0x90]  }
0x10c: {  	v25 =	vld [tilespmem:s21+$0xA0]  }
0x10d: {  	v26 =	vld [tilespmem:s21+$0xB0]  }
0x10e: {  	v27 =	vld [tilespmem:s21+$0xC0]  }
0x10f: {  	v28 =	vld [tilespmem:s21+$0xD0]  }
0x110: {  	v29 =	vld [tilespmem:s21+$0xE0]  }
0x111: {  	v30 =	vld [tilespmem:s21+$0xFFFFFF00]  }
0x112: {  	v0 =	vld.idx.msk [tilespmem:v0+s3+$0x0], $0xffff  }
0x113: {  	v1 =	vld.idx.msk [tilespmem:v1+s3+$0x0], $0xffff  }
0x114: {  	v2 =	vld.idx.msk [tilespmem:v2+s3+$0x0], $0xffff  }
0x115: {  	v3 =	vld.idx.msk [tilespmem:v3+s3+$0x0], $0xffff  }
0x116: {  	v4 =	vld.idx.msk [tilespmem:v4+s3+$0x0], $0xffff  }
0x117: {  	v5 =	vld.idx.msk [tilespmem:v5+s3+$0x0], $0xffff  }
0x118: {  	[tilespmem:s19+$0xFFFFFF10] =	vst v0;
	v0 =	vld.idx.msk [tilespmem:v7+s3+$0x0], $0xffff  }
0x119: {  	v7 =	vld.idx.msk [tilespmem:v30+s3+$0x0], $0xffff;
	[tilespmem:s19+$0xFFFFFF20] =	vst v1  }
0x11a: {  	[tilespmem:s19+$0xFFFFFF30] =	vst v2;
	v1 =	vld.idx.msk [tilespmem:v8+s3+$0x0], $0xffff  }
0x11b: {  	[tilespmem:s19+$0xFFFFFF40] =	vst v3;
	v2 =	vld.idx.msk [tilespmem:v9+s3+$0x0], $0xffff  }
0x11c: {  	[tilespmem:s19+$0xFFFFFF50] =	vst v4;
	v3 =	vld.idx.msk [tilespmem:v10+s3+$0x0], $0xffff  }
0x11d: {  	[tilespmem:s19+$0xFFFFFF60] =	vst v5;
	v4 =	vld.idx.msk [tilespmem:v11+s3+$0x0], $0xffff  }
0x11e: {  	[tilespmem:s19+$0xFFFFFF70] =	vst v0;
	v0 =	vld.idx.msk [tilespmem:v12+s3+$0x0], $0xffff  }
0x11f: {  	[tilespmem:s19+$0xFFFFFF00] =	vst v7;
	v5 =	vld.idx.msk [tilespmem:v13+s3+$0x0], $0xffff  }
0x120: {  	[tilespmem:s19+$0xFFFFFF80] =	vst v1;
	v1 =	vld.idx.msk [tilespmem:v6+s3+$0x0], $0xffff  }
0x121: {  	[tilespmem:s19+$0xFFFFFF90] =	vst v2;
	v2 =	vld.idx.msk [tilespmem:v14+s3+$0x0], $0xffff  }
0x122: {  	[tilespmem:s19+$0xFFFFFFA0] =	vst v3;
	v3 =	vld.idx.msk [tilespmem:v15+s3+$0x0], $0xffff  }
0x123: {  	[tilespmem:s19+$0xFFFFFFB0] =	vst v4;
	v4 =	vld.idx.msk [tilespmem:v16+s3+$0x0], $0xffff  }
0x124: {  	[tilespmem:s19+$0xFFFFFFC0] =	vst v0;
	v0 =	vld.idx.msk [tilespmem:v17+s3+$0x0], $0xffff  }
0x125: {  	[tilespmem:s19+$0xFFFFFFD0] =	vst v5;
	v5 =	vld.idx.msk [tilespmem:v18+s3+$0x0], $0xffff  }
0x126: {  	[tilespmem:s19+$0xFFFFFFE0] =	vst v1;
	v1 =	vld.idx.msk [tilespmem:v19+s3+$0x0], $0xffff  }
0x127: {  	[tilespmem:s19+$0xFFFFFFF0] =	vst v2;
	v2 =	vld.idx.msk [tilespmem:v20+s3+$0x0], $0xffff  }
0x128: {  	[tilespmem:s19+$0x0] =	vst v3;
	v3 =	vld.idx.msk [tilespmem:v21+s3+$0x0], $0xffff  }
0x129: {  	[tilespmem:s19+$0x10] =	vst v4;
	v4 =	vld.idx.msk [tilespmem:v22+s3+$0x0], $0xffff  }
0x12a: {  	[tilespmem:s19+$0x20] =	vst v0;
	v6 =	vld.idx.msk [tilespmem:v23+s3+$0x0], $0xffff  }
0x12b: {  	[tilespmem:s19+$0x30] =	vst v5;
	v0 =	vld.idx.msk [tilespmem:v24+s3+$0x0], $0xffff  }
.Ltmp1:
0x12c: {  	[tilespmem:s19+$0x40] =	vst v1;
	v1 =	vld.idx.msk [tilespmem:v25+s3+$0x0], $0xffff;
	(pc) =	sbr.rel @p0 .LBB2_4-.Ltmp1, $4  }
0x12d: {  	[tilespmem:s19+$0x50] =	vst v2;
	v2 =	vld.idx.msk [tilespmem:v26+s3+$0x0], $0xffff  }
0x12e: {  	[tilespmem:s19+$0x60] =	vst v3;
	v3 =	vld.idx.msk [tilespmem:v27+s3+$0x0], $0xffff  }
0x12f: {  	[tilespmem:s19+$0x70] =	vst v4;
	v4 =	vld.idx.msk [tilespmem:v28+s3+$0x0], $0xffff  }
0x130: {  	s21 =	sadd.s32 $0x200, s21;
	[tilespmem:s19+$0x80] =	vst v6;
	v5 =	vld.idx.msk [tilespmem:v29+s3+$0x0], $0xffff  }
0x131: {  	[tilespmem:s19+$0x90] =	vst v0  }
0x132: {  	[tilespmem:s19+$0xA0] =	vst v1  }
0x133: {  	[tilespmem:s19+$0xB0] =	vst v2  }
0x134: {  	[tilespmem:s19+$0xC0] =	vst v3  }
0x135: {  	[tilespmem:s19+$0xD0] =	vst v4  }
0x136: {  	s18 =	sadd.s32 $0x1, s18;
	[tilespmem:s19+$0xE0] =	vst v5  }
0x137: {  	[hbm4b:s7+s3] =	stream.linear.scatter [tilespmem:s15], [sflag:$0x4], $0x4000, $0x38;
	[tilespmem:$0x10080] =	vst v63  }
0x138: {  	p0 =	sne.s32 s18, s8;
	_ =	swait.ge [sflag:s16], $0x4000  }
.Ltmp2:
0x139: {  	[sflag:s16] =	ssyncset.done $0x0;
	(pc) =	sbr.rel @p0 .LBB2_1-.Ltmp2, $4  }
0x13a: {  	[sflag:s16] =	ssyncadd.s32 $0xFFFFC000  }
0x13b: {  	_ =	swait.ge [sflag:s17], $0x4000  }
0x13c: {  	[sflag:s17] =	ssyncset.done $0x0  }
0x13d: {  	[sflag:s17] =	ssyncadd.s32 $0xFFFFC000  }
0x13e: {  	_ =	sfence.sel $0x180000  }
0x13f: {  	[bflag:$0x0] =	sbarrier.arrive $0xFFFF  }
0x140: {  	p0 =	sne.s32 s2, $0x0;
	_ =	strace $0x90000047  }
0x141: {  	s0 =	sadd.s32 @!p0 $0x100000, s0;
	[bflag:$0x2] =	sbarrier.arrive $0xFFFF  }
0x142: {  	[sflag:s0] =	ssyncadd.tile.s32 @!p0 $0x1;
	_ =	shalt  }
.Lfunc_end2:
_tile_overlayer_lowered:
.L_overlay_start_2:
0x143: {  	(tag) =	ssettag $0x2  }
0x144: {  	s0 =	rddreg [dreg:$0x0];
	s2 =	stileid.u32  }
0x145: {  	s1 =	rddreg [dreg:$0x1];
	p0 =	sne.s32 s2, $0x0  }
0x146: {  	s3 =	rddreg [dreg:$0x2];
	[bflag:$0x3] =	sbarrier.arrive $0xFFFF;
	s2 =	simm.s32 @!p0 $0x1C05  }
0x147: {  	[timem:s3], [sflag:s2] =	dma.local @!p0 [hbm:s0], s1  }
0x148: {  	s0 =	simm.s32 @!p0 $0x5  }
0x149: {  	_ =	swait.ge @!p0 [sflag:s0], s1  }
0x14a: {  	s1 =	ssub.s32 @!p0 $0x0, s1;
	[sflag:s0] =	ssyncset.done @!p0 $0x0  }
0x14b: {  	[sflag:s0] =	ssyncadd.s32 @!p0 s1  }
0x14c: {  	[bflag:$0x3] =	sbarrier.arrive $0xFFFF  }
0x14d: {  	_ =	shalt  }

</sc_bundles>
